<compile_context>
chip_gen: v7x
topology: tpu7x:2x2x1
jax: 0.10.2.dev20260603
libtpu: 0.0.44.dev20260713+nightly
codegen_flags: <defaults>
</compile_context>

<pallas_src>
import jax
import jax.numpy as jnp
from jax import lax
from jax.experimental import pallas as pl
from jax.experimental.pallas import tpu as pltpu

S, D, E, CAP = 2048, 2048, 8, 512
BS_MM = 256
BS_OUT = 128


def _matmul_body(hs_ref, wg_ref, out_ref):
    out_ref[...] = jnp.dot(hs_ref[...], wg_ref[...],
                           preferred_element_type=jnp.float32)


def _cumsum_tokens(x):
    s = 1
    while s < S:
        x = x + jnp.concatenate(
            [jnp.zeros((s, E), x.dtype), x[:-s, :]], axis=0)
        s *= 2
    return x


def _route_body(lg_ref, g1_ref, g2_ref, nz1_ref, nz2_ref, laux_ref):
    x = lg_ref[...]
    eio = lax.broadcasted_iota(jnp.int32, (S, E), 1)
    m1 = jnp.max(x, axis=1, keepdims=True)
    e1 = jnp.min(jnp.where(x == m1, eio, E), axis=1, keepdims=True)
    mask1 = eio == e1
    xm = jnp.where(mask1, -jnp.inf, x)
    m2 = jnp.max(xm, axis=1, keepdims=True)
    e2 = jnp.min(jnp.where(xm == m2, eio, E), axis=1, keepdims=True)
    mask2 = eio == e2
    ex = jnp.exp(x - m1)
    z = jnp.sum(ex, axis=1, keepdims=True)
    gates = ex / z
    m1f = mask1.astype(jnp.float32)
    m2f = mask2.astype(jnp.float32)
    cs1 = _cumsum_tokens(m1f)
    cs2 = _cumsum_tokens(m2f)
    cnt1 = cs1[S - 1:S, :]
    loc1 = cs1 - 1.0
    loc2 = cs2 - 1.0 + cnt1
    me = jnp.sum(gates, axis=0) * (1.0 / S)
    ce = jnp.sum(m1f, axis=0) * (1.0 / S)
    laux_ref[...] = (jnp.sum(me * ce) * E).reshape(1, 1)
    k1f = m1f * (loc1 < CAP).astype(jnp.float32)
    k2f = m2f * (loc2 < CAP).astype(jnp.float32)
    loc1s = jnp.sum(loc1 * k1f, axis=1, keepdims=True)
    loc2s = jnp.sum(loc2 * k2f, axis=1, keepdims=True)
    g1s = jnp.sum(gates * k1f, axis=1, keepdims=True)
    g2s = jnp.sum(gates * k2f, axis=1, keepdims=True)
    den = g1s + g2s
    den = jnp.where(den < 1e-9, 1e-9, den)
    g1_ref[...] = g1s / den
    g2_ref[...] = g2s / den
    nz1_ref[...] = e1 * CAP + loc1s.astype(jnp.int32)
    nz2_ref[...] = e2 * CAP + loc2s.astype(jnp.int32)


def _dense_body(g1_ref, g2_ref, nz1_ref, nz2_ref, cw_ref, dm_ref):
    fio = lax.broadcasted_iota(jnp.int32, (BS_OUT, E * CAP), 1)
    v = (jnp.where(fio == nz1_ref[...], g1_ref[...], 0.0)
         + jnp.where(fio == nz2_ref[...], g2_ref[...], 0.0))
    cw_ref[...] = v
    dm_ref[...] = v > 0.0


def kernel(hidden_states, wg):
    logits = pl.pallas_call(
        _matmul_body,
        grid=(S // BS_MM,),
        in_specs=[
            pl.BlockSpec((BS_MM, D), lambda i: (i, 0)),
            pl.BlockSpec((D, E), lambda i: (0, 0)),
        ],
        out_specs=pl.BlockSpec((BS_MM, E), lambda i: (i, 0)),
        out_shape=jax.ShapeDtypeStruct((S, E), jnp.float32),
    )(hidden_states, wg)

    col_f = jax.ShapeDtypeStruct((S, 1), jnp.float32)
    col_i = jax.ShapeDtypeStruct((S, 1), jnp.int32)
    g1, g2, nz1, nz2, laux = pl.pallas_call(
        _route_body,
        out_shape=[col_f, col_f, col_i, col_i,
                   jax.ShapeDtypeStruct((1, 1), jnp.float32)],
    )(logits)

    blk_col_f = pl.BlockSpec((BS_OUT, 1), lambda i: (i, 0))
    blk_col_i = pl.BlockSpec((BS_OUT, 1), lambda i: (i, 0))
    cw, dm = pl.pallas_call(
        _dense_body,
        grid=(S // BS_OUT,),
        in_specs=[blk_col_f, blk_col_f, blk_col_i, blk_col_i],
        out_specs=[
            pl.BlockSpec((BS_OUT, E * CAP), lambda i: (i, 0)),
            pl.BlockSpec((BS_OUT, E * CAP), lambda i: (i, 0)),
        ],
        out_shape=[
            jax.ShapeDtypeStruct((S, E * CAP), jnp.float32),
            jax.ShapeDtypeStruct((S, E * CAP), jnp.bool_),
        ],
    )(g1, g2, nz1, nz2)

    return (laux[0, 0], cw.reshape(S, E, CAP), dm.reshape(S, E, CAP))

# --- scband reference (transcript-rebuilt; emitter-appended) ---
"""Pipeline reference for scband-top-kgate-44856638439904 (READ-ONLY COPY).

The authoritative reference and input builder live on the scoring server;
editing this copy changes nothing except your own understanding.
"""

import jax, jax.numpy as jnp
import numpy as np
import math

NUM_EXPERTS = 8
TOPK = 2
CAPACITY_FACTOR = 1.0
MIN_CAPACITY = 4
S_TOKENS = 2048
D_MODEL = 2048


def setup_inputs(seed: int = 0) -> dict:
    key = jax.random.key(seed)
    k1, k2 = jax.random.split(key)
    hidden_states = jax.random.normal(k1, (S_TOKENS, D_MODEL), dtype=jnp.float32)
    wg = jax.random.normal(k2, (D_MODEL, NUM_EXPERTS), dtype=jnp.float32) * (1.0 / math.sqrt(D_MODEL))
    return {"hidden_states": hidden_states, "wg": wg}


def reference(hidden_states, wg):
    # Router projection (TopKGate.wg)
    logits = hidden_states @ wg  # [S, E]
    gates = jax.nn.softmax(logits, axis=1)
    S, E = gates.shape
    # _capacity: ceil(S / E * capacity_factor * 2) for top-2, floored at min_capacity
    capacity = max(int(math.ceil(S / E * CAPACITY_FACTOR * 2.0)), MIN_CAPACITY)
    # top-2 expert selection
    _, sel = jax.lax.top_k(gates, TOPK)  # [S, 2]
    mask1 = jax.nn.one_hot(sel[:, 0], E, dtype=jnp.float32)
    mask2 = jax.nn.one_hot(sel[:, 1], E, dtype=jnp.float32)
    # positions within each expert buffer
    locations1 = jnp.cumsum(mask1, axis=0) - 1.0
    locations2 = jnp.cumsum(mask2, axis=0) - 1.0 + jnp.sum(mask1, axis=0, keepdims=True)
    # aux load-balancing loss (apply_aux_loss)
    me = jnp.mean(gates, axis=0)
    ce = jnp.mean(mask1, axis=0)
    l_aux = jnp.mean(me * ce) * E * E
    # drop tokens beyond capacity
    mask1 = mask1 * (locations1 < capacity).astype(jnp.float32)
    mask2 = mask2 * (locations2 < capacity).astype(jnp.float32)
    loc1_s = jnp.sum(locations1 * mask1, axis=1).astype(jnp.int32)
    loc2_s = jnp.sum(locations2 * mask2, axis=1).astype(jnp.int32)
    gates1_s = jnp.sum(gates * mask1, axis=1)
    gates2_s = jnp.sum(gates * mask2, axis=1)
    denom = gates1_s + gates2_s
    denom = jnp.where(denom < 1e-9, 1e-9, denom)
    g1 = gates1_s / denom
    g2 = gates2_s / denom
    # combine weights: einsum('se,sc->sec')
    oh1 = jax.nn.one_hot(loc1_s, capacity, dtype=jnp.float32)
    oh2 = jax.nn.one_hot(loc2_s, capacity, dtype=jnp.float32)
    combine1 = g1[:, None, None] * mask1[:, :, None] * oh1[:, None, :]
    combine2 = g2[:, None, None] * mask2[:, :, None] * oh2[:, None, :]
    combine_weights = combine1 + combine2  # [S, E, C]
    dispatch_mask = combine_weights > 0.0
    return (l_aux, combine_weights, dispatch_mask)

if __name__ == "__main__":
    import jax
    _d = setup_inputs()
    print(jax.jit(kernel)(*tuple(_d.values())))

</pallas_src>

<mosaic_0001>
module attributes {stable_mosaic.version = 14 : i64} {
  func.func @_matmul_body(%arg0: i32, %arg1: memref<256x2048xf32, #tpu.memory_space<vmem>>, %arg2: memref<2048x8xf32, #tpu.memory_space<vmem>>, %arg3: memref<256x8xf32, #tpu.memory_space<vmem>>) attributes {dimension_semantics = [#tpu.dimension_semantics<arbitrary>], iteration_bounds = array<i64: 8>, scalar_prefetch = 0 : i64, scratch_operands = 0 : i64, tpu.core_type = #tpu.core_type<tc>, window_params = [{transform_indices = @transform_0, window_bounds = array<i64: 256, 2048>}, {pipeline_mode = #tpu.pipeline_mode<synchronous>, transform_indices = @transform_1, window_bounds = array<i64: 2048, 8>}, {transform_indices = @transform_2, window_bounds = array<i64: 256, 8>}]} {
    %get3A = arith.constant 0 : index
    %get3A_0 = arith.constant 0 : index
    %get3A_1 = vector.load %arg1[%get3A, %get3A_0] : memref<256x2048xf32, #tpu.memory_space<vmem>>, vector<256x2048xf32>
    %get3A_2 = arith.constant 0 : index
    %get3A_3 = arith.constant 0 : index
    %get3A_4 = vector.load %arg2[%get3A_2, %get3A_3] : memref<2048x8xf32, #tpu.memory_space<vmem>>, vector<2048x8xf32>
    %dot_general3A = arith.constant dense<0.000000e+00> : vector<256x8xf32>
    %dot_general3A_5 = tpu.matmul %get3A_1, %get3A_4, %dot_general3A {dimension_numbers = #tpu.dot_dimension_numbers<[1], [0], [0], [1], [0, 0, 1, 1], [], []>, transpose_lhs_hint = false} : vector<256x2048xf32>, vector<2048x8xf32>, vector<256x8xf32> -> vector<256x8xf32>
    %swap3A = arith.constant 0 : index
    %swap3A_6 = arith.constant 0 : index
    %swap3A_7 = vector.load %arg3[%swap3A, %swap3A_6] : memref<256x8xf32, #tpu.memory_space<vmem>>, vector<256x8xf32>
    tpu.vector_store %arg3[%swap3A, %swap3A_6], %dot_general3A_5 {strides = array<i32>} : memref<256x8xf32, #tpu.memory_space<vmem>>, vector<256x8xf32>,
    return
  }
  func.func @transform_0(%arg0: i32) -> (i32, i32) {
    %c0_i32 = arith.constant 0 : i32
    %c0_i32_0 = arith.constant 0 : i32
    return %arg0, %c0_i32 : i32, i32
  }
  func.func @transform_1(%arg0: i32) -> (i32, i32) {
    %c0_i32 = arith.constant 0 : i32
    %c0_i32_0 = arith.constant 0 : i32
    %c0_i32_1 = arith.constant 0 : i32
    return %c0_i32, %c0_i32_0 : i32, i32
  }
  func.func @transform_2(%arg0: i32) -> (i32, i32) {
    %c0_i32 = arith.constant 0 : i32
    %c0_i32_0 = arith.constant 0 : i32
    return %arg0, %c0_i32 : i32, i32
  }
}

module attributes {stable_mosaic.version = 14 : i64} {
  func.func @_route_body(%arg0: memref<2048x8xf32, #tpu.memory_space<vmem>>, %arg1: memref<2048x1xf32, #tpu.memory_space<vmem>>, %arg2: memref<2048x1xf32, #tpu.memory_space<vmem>>, %arg3: memref<2048x1xi32, #tpu.memory_space<vmem>>, %arg4: memref<2048x1xi32, #tpu.memory_space<vmem>>, %arg5: memref<1x1xf32, #tpu.memory_space<vmem>>) attributes {dimension_semantics = [], scalar_prefetch = 0 : i64, scratch_operands = 0 : i64, tpu.core_type = #tpu.core_type<tc>} {
    %get3A = arith.constant 0 : index
    %get3A_0 = arith.constant 0 : index
    %get3A_1 = vector.load %arg0[%get3A, %get3A_0] : memref<2048x8xf32, #tpu.memory_space<vmem>>, vector<2048x8xf32>
    %iota3A = tpu.iota {dimensions = array<i32: 1>} : vector<2048x8xi32>
    %reduce_max3A = arith.constant dense<0xFF800000> : vector<2048xf32>
    %reduce_max3A_2 = vector.multi_reduction <maximumf>, %get3A_1, %reduce_max3A [1] : vector<2048x8xf32> to vector<2048xf32>
    %broadcast_in_dim3A = vector.shape_cast %reduce_max3A_2 : vector<2048xf32> to vector<2048x1xf32>
    %eq3A = vector.broadcast %broadcast_in_dim3A : vector<2048x1xf32> to vector<2048x8xf32>
    %eq3A_3 = arith.cmpf oeq, %get3A_1, %eq3A : vector<2048x8xf32>
    %jit3A = arith.constant 8 : i32
    %broadcast_in_dim3A_4 = vector.broadcast %jit3A : i32 to vector<2048x8xi32>
    %select_n3A = arith.select %eq3A_3, %iota3A, %broadcast_in_dim3A_4 : vector<2048x8xi1>, vector<2048x8xi32>
    %reduce_min3A = arith.constant dense<2147483647> : vector<2048xi32>
    %reduce_min3A_5 = vector.multi_reduction <minsi>, %select_n3A, %reduce_min3A [1] : vector<2048x8xi32> to vector<2048xi32>
    %broadcast_in_dim3A_6 = vector.shape_cast %reduce_min3A_5 : vector<2048xi32> to vector<2048x1xi32>
    %eq3A_7 = vector.broadcast %broadcast_in_dim3A_6 : vector<2048x1xi32> to vector<2048x8xi32>
    %eq3A_8 = arith.cmpi eq, %iota3A, %eq3A_7 : vector<2048x8xi32>
    %jit3A_9 = arith.constant 0xFF800000 : f32
    %broadcast_in_dim3A_10 = vector.broadcast %jit3A_9 : f32 to vector<2048x8xf32>
    %select_n3A_11 = arith.select %eq3A_8, %broadcast_in_dim3A_10, %get3A_1 : vector<2048x8xi1>, vector<2048x8xf32>
    %reduce_max3A_12 = arith.constant dense<0xFF800000> : vector<2048xf32>
    %reduce_max3A_13 = vector.multi_reduction <maximumf>, %select_n3A_11, %reduce_max3A_12 [1] : vector<2048x8xf32> to vector<2048xf32>
    %broadcast_in_dim3A_14 = vector.shape_cast %reduce_max3A_13 : vector<2048xf32> to vector<2048x1xf32>
    %eq3A_15 = vector.broadcast %broadcast_in_dim3A_14 : vector<2048x1xf32> to vector<2048x8xf32>
    %eq3A_16 = arith.cmpf oeq, %select_n3A_11, %eq3A_15 : vector<2048x8xf32>
    %jit3A_17 = arith.constant 8 : i32
    %broadcast_in_dim3A_18 = vector.broadcast %jit3A_17 : i32 to vector<2048x8xi32>
    %select_n3A_19 = arith.select %eq3A_16, %iota3A, %broadcast_in_dim3A_18 : vector<2048x8xi1>, vector<2048x8xi32>
    %reduce_min3A_20 = arith.constant dense<2147483647> : vector<2048xi32>
    %reduce_min3A_21 = vector.multi_reduction <minsi>, %select_n3A_19, %reduce_min3A_20 [1] : vector<2048x8xi32> to vector<2048xi32>
    %broadcast_in_dim3A_22 = vector.shape_cast %reduce_min3A_21 : vector<2048xi32> to vector<2048x1xi32>
    %eq3A_23 = vector.broadcast %broadcast_in_dim3A_22 : vector<2048x1xi32> to vector<2048x8xi32>
    %eq3A_24 = arith.cmpi eq, %iota3A, %eq3A_23 : vector<2048x8xi32>
    %sub3A = vector.broadcast %broadcast_in_dim3A : vector<2048x1xf32> to vector<2048x8xf32>
    %sub3A_25 = arith.subf %get3A_1, %sub3A : vector<2048x8xf32>
    %exp3A = math.exp %sub3A_25 : vector<2048x8xf32>
    %reduce_sum3A = arith.constant dense<0.000000e+00> : vector<2048xf32>
    %reduce_sum3A_26 = vector.multi_reduction <add>, %exp3A, %reduce_sum3A [1] : vector<2048x8xf32> to vector<2048xf32>
    %broadcast_in_dim3A_27 = vector.shape_cast %reduce_sum3A_26 : vector<2048xf32> to vector<2048x1xf32>
    %div3A = vector.broadcast %broadcast_in_dim3A_27 : vector<2048x1xf32> to vector<2048x8xf32>
    %div3A_28 = arith.divf %exp3A, %div3A : vector<2048x8xf32>
    %convert_element_type3A = arith.extui %eq3A_8 : vector<2048x8xi1> to vector<2048x8xi32>
    %convert_element_type3A_29 = arith.sitofp %convert_element_type3A : vector<2048x8xi32> to vector<2048x8xf32>
    %convert_element_type3A_30 = arith.extui %eq3A_24 : vector<2048x8xi1> to vector<2048x8xi32>
    %convert_element_type3A_31 = arith.sitofp %convert_element_type3A_30 : vector<2048x8xi32> to vector<2048x8xf32>
    %broadcast_in_dim3A_32 = arith.constant 0.000000e+00 : f32
    %broadcast_in_dim3A_33 = vector.broadcast %broadcast_in_dim3A_32 : f32 to vector<1x8xf32>
    %slice3A = vector.extract_strided_slice %convert_element_type3A_29 {offsets = [0, 0], sizes = [2047, 8], strides = [1, 1]} : vector<2048x8xf32> to vector<2047x8xf32>
    %concatenate3A = tpu.concatenate %broadcast_in_dim3A_33, %slice3A in 0 : vector<1x8xf32>, vector<2047x8xf32> -> vector<2048x8xf32>
    %add3A = arith.addf %convert_element_type3A_29, %concatenate3A : vector<2048x8xf32>
    %broadcast_in_dim3A_34 = arith.constant 0.000000e+00 : f32
    %broadcast_in_dim3A_35 = vector.broadcast %broadcast_in_dim3A_34 : f32 to vector<2x8xf32>
    %slice3A_36 = vector.extract_strided_slice %add3A {offsets = [0, 0], sizes = [2046, 8], strides = [1, 1]} : vector<2048x8xf32> to vector<2046x8xf32>
    %concatenate3A_37 = tpu.concatenate %broadcast_in_dim3A_35, %slice3A_36 in 0 : vector<2x8xf32>, vector<2046x8xf32> -> vector<2048x8xf32>
    %add3A_38 = arith.addf %add3A, %concatenate3A_37 : vector<2048x8xf32>
    %broadcast_in_dim3A_39 = arith.constant 0.000000e+00 : f32
    %broadcast_in_dim3A_40 = vector.broadcast %broadcast_in_dim3A_39 : f32 to vector<4x8xf32>
    %slice3A_41 = vector.extract_strided_slice %add3A_38 {offsets = [0, 0], sizes = [2044, 8], strides = [1, 1]} : vector<2048x8xf32> to vector<2044x8xf32>
    %concatenate3A_42 = tpu.concatenate %broadcast_in_dim3A_40, %slice3A_41 in 0 : vector<4x8xf32>, vector<2044x8xf32> -> vector<2048x8xf32>
    %add3A_43 = arith.addf %add3A_38, %concatenate3A_42 : vector<2048x8xf32>
    %broadcast_in_dim3A_44 = arith.constant 0.000000e+00 : f32
    %broadcast_in_dim3A_45 = vector.broadcast %broadcast_in_dim3A_44 : f32 to vector<8x8xf32>
    %slice3A_46 = vector.extract_strided_slice %add3A_43 {offsets = [0, 0], sizes = [2040, 8], strides = [1, 1]} : vector<2048x8xf32> to vector<2040x8xf32>
    %concatenate3A_47 = tpu.concatenate %broadcast_in_dim3A_45, %slice3A_46 in 0 : vector<8x8xf32>, vector<2040x8xf32> -> vector<2048x8xf32>
    %add3A_48 = arith.addf %add3A_43, %concatenate3A_47 : vector<2048x8xf32>
    %broadcast_in_dim3A_49 = arith.constant 0.000000e+00 : f32
    %broadcast_in_dim3A_50 = vector.broadcast %broadcast_in_dim3A_49 : f32 to vector<16x8xf32>
    %slice3A_51 = vector.extract_strided_slice %add3A_48 {offsets = [0, 0], sizes = [2032, 8], strides = [1, 1]} : vector<2048x8xf32> to vector<2032x8xf32>
    %concatenate3A_52 = tpu.concatenate %broadcast_in_dim3A_50, %slice3A_51 in 0 : vector<16x8xf32>, vector<2032x8xf32> -> vector<2048x8xf32>
    %add3A_53 = arith.addf %add3A_48, %concatenate3A_52 : vector<2048x8xf32>
    %broadcast_in_dim3A_54 = arith.constant 0.000000e+00 : f32
    %broadcast_in_dim3A_55 = vector.broadcast %broadcast_in_dim3A_54 : f32 to vector<32x8xf32>
    %slice3A_56 = vector.extract_strided_slice %add3A_53 {offsets = [0, 0], sizes = [2016, 8], strides = [1, 1]} : vector<2048x8xf32> to vector<2016x8xf32>
    %concatenate3A_57 = tpu.concatenate %broadcast_in_dim3A_55, %slice3A_56 in 0 : vector<32x8xf32>, vector<2016x8xf32> -> vector<2048x8xf32>
    %add3A_58 = arith.addf %add3A_53, %concatenate3A_57 : vector<2048x8xf32>
    %broadcast_in_dim3A_59 = arith.constant 0.000000e+00 : f32
    %broadcast_in_dim3A_60 = vector.broadcast %broadcast_in_dim3A_59 : f32 to vector<64x8xf32>
    %slice3A_61 = vector.extract_strided_slice %add3A_58 {offsets = [0, 0], sizes = [1984, 8], strides = [1, 1]} : vector<2048x8xf32> to vector<1984x8xf32>
    %concatenate3A_62 = tpu.concatenate %broadcast_in_dim3A_60, %slice3A_61 in 0 : vector<64x8xf32>, vector<1984x8xf32> -> vector<2048x8xf32>
    %add3A_63 = arith.addf %add3A_58, %concatenate3A_62 : vector<2048x8xf32>
    %broadcast_in_dim3A_64 = arith.constant 0.000000e+00 : f32
    %broadcast_in_dim3A_65 = vector.broadcast %broadcast_in_dim3A_64 : f32 to vector<128x8xf32>
    %slice3A_66 = vector.extract_strided_slice %add3A_63 {offsets = [0, 0], sizes = [1920, 8], strides = [1, 1]} : vector<2048x8xf32> to vector<1920x8xf32>
    %concatenate3A_67 = tpu.concatenate %broadcast_in_dim3A_65, %slice3A_66 in 0 : vector<128x8xf32>, vector<1920x8xf32> -> vector<2048x8xf32>
    %add3A_68 = arith.addf %add3A_63, %concatenate3A_67 : vector<2048x8xf32>
    %broadcast_in_dim3A_69 = arith.constant 0.000000e+00 : f32
    %broadcast_in_dim3A_70 = vector.broadcast %broadcast_in_dim3A_69 : f32 to vector<256x8xf32>
    %slice3A_71 = vector.extract_strided_slice %add3A_68 {offsets = [0, 0], sizes = [1792, 8], strides = [1, 1]} : vector<2048x8xf32> to vector<1792x8xf32>
    %concatenate3A_72 = tpu.concatenate %broadcast_in_dim3A_70, %slice3A_71 in 0 : vector<256x8xf32>, vector<1792x8xf32> -> vector<2048x8xf32>
    %add3A_73 = arith.addf %add3A_68, %concatenate3A_72 : vector<2048x8xf32>
    %broadcast_in_dim3A_74 = arith.constant 0.000000e+00 : f32
    %broadcast_in_dim3A_75 = vector.broadcast %broadcast_in_dim3A_74 : f32 to vector<512x8xf32>
    %slice3A_76 = vector.extract_strided_slice %add3A_73 {offsets = [0, 0], sizes = [1536, 8], strides = [1, 1]} : vector<2048x8xf32> to vector<1536x8xf32>
    %concatenate3A_77 = tpu.concatenate %broadcast_in_dim3A_75, %slice3A_76 in 0 : vector<512x8xf32>, vector<1536x8xf32> -> vector<2048x8xf32>
    %add3A_78 = arith.addf %add3A_73, %concatenate3A_77 : vector<2048x8xf32>
    %broadcast_in_dim3A_79 = arith.constant 0.000000e+00 : f32
    %broadcast_in_dim3A_80 = vector.broadcast %broadcast_in_dim3A_79 : f32 to vector<1024x8xf32>
    %slice3A_81 = vector.extract_strided_slice %add3A_78 {offsets = [0, 0], sizes = [1024, 8], strides = [1, 1]} : vector<2048x8xf32> to vector<1024x8xf32>
    %concatenate3A_82 = tpu.concatenate %broadcast_in_dim3A_80, %slice3A_81 in 0 : vector<1024x8xf32>, vector<1024x8xf32> -> vector<2048x8xf32>
    %add3A_83 = arith.addf %add3A_78, %concatenate3A_82 : vector<2048x8xf32>
    %broadcast_in_dim3A_84 = arith.constant 0.000000e+00 : f32
    %broadcast_in_dim3A_85 = vector.broadcast %broadcast_in_dim3A_84 : f32 to vector<1x8xf32>
    %slice3A_86 = vector.extract_strided_slice %convert_element_type3A_31 {offsets = [0, 0], sizes = [2047, 8], strides = [1, 1]} : vector<2048x8xf32> to vector<2047x8xf32>
    %concatenate3A_87 = tpu.concatenate %broadcast_in_dim3A_85, %slice3A_86 in 0 : vector<1x8xf32>, vector<2047x8xf32> -> vector<2048x8xf32>
    %add3A_88 = arith.addf %convert_element_type3A_31, %concatenate3A_87 : vector<2048x8xf32>
    %broadcast_in_dim3A_89 = arith.constant 0.000000e+00 : f32
    %broadcast_in_dim3A_90 = vector.broadcast %broadcast_in_dim3A_89 : f32 to vector<2x8xf32>
    %slice3A_91 = vector.extract_strided_slice %add3A_88 {offsets = [0, 0], sizes = [2046, 8], strides = [1, 1]} : vector<2048x8xf32> to vector<2046x8xf32>
    %concatenate3A_92 = tpu.concatenate %broadcast_in_dim3A_90, %slice3A_91 in 0 : vector<2x8xf32>, vector<2046x8xf32> -> vector<2048x8xf32>
    %add3A_93 = arith.addf %add3A_88, %concatenate3A_92 : vector<2048x8xf32>
    %broadcast_in_dim3A_94 = arith.constant 0.000000e+00 : f32
    %broadcast_in_dim3A_95 = vector.broadcast %broadcast_in_dim3A_94 : f32 to vector<4x8xf32>
    %slice3A_96 = vector.extract_strided_slice %add3A_93 {offsets = [0, 0], sizes = [2044, 8], strides = [1, 1]} : vector<2048x8xf32> to vector<2044x8xf32>
    %concatenate3A_97 = tpu.concatenate %broadcast_in_dim3A_95, %slice3A_96 in 0 : vector<4x8xf32>, vector<2044x8xf32> -> vector<2048x8xf32>
    %add3A_98 = arith.addf %add3A_93, %concatenate3A_97 : vector<2048x8xf32>
    %broadcast_in_dim3A_99 = arith.constant 0.000000e+00 : f32
    %broadcast_in_dim3A_100 = vector.broadcast %broadcast_in_dim3A_99 : f32 to vector<8x8xf32>
    %slice3A_101 = vector.extract_strided_slice %add3A_98 {offsets = [0, 0], sizes = [2040, 8], strides = [1, 1]} : vector<2048x8xf32> to vector<2040x8xf32>
    %concatenate3A_102 = tpu.concatenate %broadcast_in_dim3A_100, %slice3A_101 in 0 : vector<8x8xf32>, vector<2040x8xf32> -> vector<2048x8xf32>
    %add3A_103 = arith.addf %add3A_98, %concatenate3A_102 : vector<2048x8xf32>
    %broadcast_in_dim3A_104 = arith.constant 0.000000e+00 : f32
    %broadcast_in_dim3A_105 = vector.broadcast %broadcast_in_dim3A_104 : f32 to vector<16x8xf32>
    %slice3A_106 = vector.extract_strided_slice %add3A_103 {offsets = [0, 0], sizes = [2032, 8], strides = [1, 1]} : vector<2048x8xf32> to vector<2032x8xf32>
    %concatenate3A_107 = tpu.concatenate %broadcast_in_dim3A_105, %slice3A_106 in 0 : vector<16x8xf32>, vector<2032x8xf32> -> vector<2048x8xf32>
    %add3A_108 = arith.addf %add3A_103, %concatenate3A_107 : vector<2048x8xf32>
    %broadcast_in_dim3A_109 = arith.constant 0.000000e+00 : f32
    %broadcast_in_dim3A_110 = vector.broadcast %broadcast_in_dim3A_109 : f32 to vector<32x8xf32>
    %slice3A_111 = vector.extract_strided_slice %add3A_108 {offsets = [0, 0], sizes = [2016, 8], strides = [1, 1]} : vector<2048x8xf32> to vector<2016x8xf32>
    %concatenate3A_112 = tpu.concatenate %broadcast_in_dim3A_110, %slice3A_111 in 0 : vector<32x8xf32>, vector<2016x8xf32> -> vector<2048x8xf32>
    %add3A_113 = arith.addf %add3A_108, %concatenate3A_112 : vector<2048x8xf32>
    %broadcast_in_dim3A_114 = arith.constant 0.000000e+00 : f32
    %broadcast_in_dim3A_115 = vector.broadcast %broadcast_in_dim3A_114 : f32 to vector<64x8xf32>
    %slice3A_116 = vector.extract_strided_slice %add3A_113 {offsets = [0, 0], sizes = [1984, 8], strides = [1, 1]} : vector<2048x8xf32> to vector<1984x8xf32>
    %concatenate3A_117 = tpu.concatenate %broadcast_in_dim3A_115, %slice3A_116 in 0 : vector<64x8xf32>, vector<1984x8xf32> -> vector<2048x8xf32>
    %add3A_118 = arith.addf %add3A_113, %concatenate3A_117 : vector<2048x8xf32>
    %broadcast_in_dim3A_119 = arith.constant 0.000000e+00 : f32
    %broadcast_in_dim3A_120 = vector.broadcast %broadcast_in_dim3A_119 : f32 to vector<128x8xf32>
    %slice3A_121 = vector.extract_strided_slice %add3A_118 {offsets = [0, 0], sizes = [1920, 8], strides = [1, 1]} : vector<2048x8xf32> to vector<1920x8xf32>
    %concatenate3A_122 = tpu.concatenate %broadcast_in_dim3A_120, %slice3A_121 in 0 : vector<128x8xf32>, vector<1920x8xf32> -> vector<2048x8xf32>
    %add3A_123 = arith.addf %add3A_118, %concatenate3A_122 : vector<2048x8xf32>
    %broadcast_in_dim3A_124 = arith.constant 0.000000e+00 : f32
    %broadcast_in_dim3A_125 = vector.broadcast %broadcast_in_dim3A_124 : f32 to vector<256x8xf32>
    %slice3A_126 = vector.extract_strided_slice %add3A_123 {offsets = [0, 0], sizes = [1792, 8], strides = [1, 1]} : vector<2048x8xf32> to vector<1792x8xf32>
    %concatenate3A_127 = tpu.concatenate %broadcast_in_dim3A_125, %slice3A_126 in 0 : vector<256x8xf32>, vector<1792x8xf32> -> vector<2048x8xf32>
    %add3A_128 = arith.addf %add3A_123, %concatenate3A_127 : vector<2048x8xf32>
    %broadcast_in_dim3A_129 = arith.constant 0.000000e+00 : f32
    %broadcast_in_dim3A_130 = vector.broadcast %broadcast_in_dim3A_129 : f32 to vector<512x8xf32>
    %slice3A_131 = vector.extract_strided_slice %add3A_128 {offsets = [0, 0], sizes = [1536, 8], strides = [1, 1]} : vector<2048x8xf32> to vector<1536x8xf32>
    %concatenate3A_132 = tpu.concatenate %broadcast_in_dim3A_130, %slice3A_131 in 0 : vector<512x8xf32>, vector<1536x8xf32> -> vector<2048x8xf32>
    %add3A_133 = arith.addf %add3A_128, %concatenate3A_132 : vector<2048x8xf32>
    %broadcast_in_dim3A_134 = arith.constant 0.000000e+00 : f32
    %broadcast_in_dim3A_135 = vector.broadcast %broadcast_in_dim3A_134 : f32 to vector<1024x8xf32>
    %slice3A_136 = vector.extract_strided_slice %add3A_133 {offsets = [0, 0], sizes = [1024, 8], strides = [1, 1]} : vector<2048x8xf32> to vector<1024x8xf32>
    %concatenate3A_137 = tpu.concatenate %broadcast_in_dim3A_135, %slice3A_136 in 0 : vector<1024x8xf32>, vector<1024x8xf32> -> vector<2048x8xf32>
    %add3A_138 = arith.addf %add3A_133, %concatenate3A_137 : vector<2048x8xf32>
    %slice3A_139 = vector.extract_strided_slice %add3A_83 {offsets = [2047, 0], sizes = [1, 8], strides = [1, 1]} : vector<2048x8xf32> to vector<1x8xf32>
    %sub3A_140 = arith.constant 1.000000e+00 : f32
    %sub3A_141 = vector.broadcast %sub3A_140 : f32 to vector<2048x8xf32>
    %sub3A_142 = arith.subf %add3A_83, %sub3A_141 : vector<2048x8xf32>
    %sub3A_143 = arith.constant 1.000000e+00 : f32
    %sub3A_144 = vector.broadcast %sub3A_143 : f32 to vector<2048x8xf32>
    %sub3A_145 = arith.subf %add3A_138, %sub3A_144 : vector<2048x8xf32>
    %add3A_146 = vector.broadcast %slice3A_139 : vector<1x8xf32> to vector<2048x8xf32>
    %add3A_147 = arith.addf %sub3A_145, %add3A_146 : vector<2048x8xf32>
    %reduce_sum3A_148 = arith.constant dense<0.000000e+00> : vector<8xf32>
    %reduce_sum3A_149 = vector.multi_reduction <add>, %div3A_28, %reduce_sum3A_148 [0] : vector<2048x8xf32> to vector<8xf32>
    %mul3A = arith.constant 4.8828125E-4 : f32
    %mul3A_150 = vector.broadcast %mul3A : f32 to vector<8xf32>
    %mul3A_151 = arith.mulf %reduce_sum3A_149, %mul3A_150 : vector<8xf32>
    %reduce_sum3A_152 = arith.constant dense<0.000000e+00> : vector<8xf32>
    %reduce_sum3A_153 = vector.multi_reduction <add>, %convert_element_type3A_29, %reduce_sum3A_152 [0] : vector<2048x8xf32> to vector<8xf32>
    %mul3A_154 = arith.constant 4.8828125E-4 : f32
    %mul3A_155 = vector.broadcast %mul3A_154 : f32 to vector<8xf32>
    %mul3A_156 = arith.mulf %reduce_sum3A_153, %mul3A_155 : vector<8xf32>
    %mul3A_157 = arith.mulf %mul3A_151, %mul3A_156 : vector<8xf32>
    %reduce_sum3A_158 = vector.shape_cast %mul3A_157 : vector<8xf32> to vector<1x8xf32>
    %reduce_sum3A_159 = arith.constant dense<0.000000e+00> : vector<1xf32>
    %reduce_sum3A_160 = vector.multi_reduction <add>, %reduce_sum3A_158, %reduce_sum3A_159 [1] : vector<1x8xf32> to vector<1xf32>
    %reduce_sum3A_161 = vector.shape_cast %reduce_sum3A_160 : vector<1xf32> to vector<1x1xf32>
    %reduce_sum3A_162 = vector.extract %reduce_sum3A_161[0, 0] : f32 from vector<1x1xf32>
    %mul3A_163 = arith.constant 8.000000e+00 : f32
    %mul3A_164 = arith.mulf %reduce_sum3A_162, %mul3A_163 : f32
    %reshape3A = vector.broadcast %mul3A_164 : f32 to vector<1x1xf32>
    %swap3A = arith.constant 0 : index
    %swap3A_165 = arith.constant 0 : index
    %swap3A_166 = vector.load %arg5[%swap3A, %swap3A_165] : memref<1x1xf32, #tpu.memory_space<vmem>>, vector<1x1xf32>
    tpu.vector_store %arg5[%swap3A, %swap3A_165], %reshape3A {strides = array<i32>} : memref<1x1xf32, #tpu.memory_space<vmem>>, vector<1x1xf32>,
    %lt3A = arith.constant 5.120000e+02 : f32
    %lt3A_167 = vector.broadcast %lt3A : f32 to vector<2048x8xf32>
    %lt3A_168 = arith.cmpf olt, %sub3A_142, %lt3A_167 : vector<2048x8xf32>
    %convert_element_type3A_169 = arith.extui %lt3A_168 : vector<2048x8xi1> to vector<2048x8xi32>
    %convert_element_type3A_170 = arith.sitofp %convert_element_type3A_169 : vector<2048x8xi32> to vector<2048x8xf32>
    %mul3A_171 = arith.mulf %convert_element_type3A_29, %convert_element_type3A_170 : vector<2048x8xf32>
    %lt3A_172 = arith.constant 5.120000e+02 : f32
    %lt3A_173 = vector.broadcast %lt3A_172 : f32 to vector<2048x8xf32>
    %lt3A_174 = arith.cmpf olt, %add3A_147, %lt3A_173 : vector<2048x8xf32>
    %convert_element_type3A_175 = arith.extui %lt3A_174 : vector<2048x8xi1> to vector<2048x8xi32>
    %convert_element_type3A_176 = arith.sitofp %convert_element_type3A_175 : vector<2048x8xi32> to vector<2048x8xf32>
    %mul3A_177 = arith.mulf %convert_element_type3A_31, %convert_element_type3A_176 : vector<2048x8xf32>
    %mul3A_178 = arith.mulf %sub3A_142, %mul3A_171 : vector<2048x8xf32>
    %reduce_sum3A_179 = arith.constant dense<0.000000e+00> : vector<2048xf32>
    %reduce_sum3A_180 = vector.multi_reduction <add>, %mul3A_178, %reduce_sum3A_179 [1] : vector<2048x8xf32> to vector<2048xf32>
    %broadcast_in_dim3A_181 = vector.shape_cast %reduce_sum3A_180 : vector<2048xf32> to vector<2048x1xf32>
    %mul3A_182 = arith.mulf %add3A_147, %mul3A_177 : vector<2048x8xf32>
    %reduce_sum3A_183 = arith.constant dense<0.000000e+00> : vector<2048xf32>
    %reduce_sum3A_184 = vector.multi_reduction <add>, %mul3A_182, %reduce_sum3A_183 [1] : vector<2048x8xf32> to vector<2048xf32>
    %broadcast_in_dim3A_185 = vector.shape_cast %reduce_sum3A_184 : vector<2048xf32> to vector<2048x1xf32>
    %mul3A_186 = arith.mulf %div3A_28, %mul3A_171 : vector<2048x8xf32>
    %reduce_sum3A_187 = arith.constant dense<0.000000e+00> : vector<2048xf32>
    %reduce_sum3A_188 = vector.multi_reduction <add>, %mul3A_186, %reduce_sum3A_187 [1] : vector<2048x8xf32> to vector<2048xf32>
    %broadcast_in_dim3A_189 = vector.shape_cast %reduce_sum3A_188 : vector<2048xf32> to vector<2048x1xf32>
    %mul3A_190 = arith.mulf %div3A_28, %mul3A_177 : vector<2048x8xf32>
    %reduce_sum3A_191 = arith.constant dense<0.000000e+00> : vector<2048xf32>
    %reduce_sum3A_192 = vector.multi_reduction <add>, %mul3A_190, %reduce_sum3A_191 [1] : vector<2048x8xf32> to vector<2048xf32>
    %broadcast_in_dim3A_193 = vector.shape_cast %reduce_sum3A_192 : vector<2048xf32> to vector<2048x1xf32>
    %add3A_194 = arith.addf %broadcast_in_dim3A_189, %broadcast_in_dim3A_193 : vector<2048x1xf32>
    %lt3A_195 = arith.constant 9.99999971E-10 : f32
    %lt3A_196 = vector.broadcast %lt3A_195 : f32 to vector<2048x1xf32>
    %lt3A_197 = arith.cmpf olt, %add3A_194, %lt3A_196 : vector<2048x1xf32>
    %jit3A_198 = arith.constant 9.99999971E-10 : f32
    %broadcast_in_dim3A_199 = vector.broadcast %jit3A_198 : f32 to vector<2048x1xf32>
    %select_n3A_200 = arith.select %lt3A_197, %broadcast_in_dim3A_199, %add3A_194 : vector<2048x1xi1>, vector<2048x1xf32>
    %div3A_201 = arith.divf %broadcast_in_dim3A_189, %select_n3A_200 : vector<2048x1xf32>
    %swap3A_202 = arith.constant 0 : index
    %swap3A_203 = arith.constant 0 : index
    %swap3A_204 = vector.load %arg1[%swap3A_202, %swap3A_203] : memref<2048x1xf32, #tpu.memory_space<vmem>>, vector<2048x1xf32>
    tpu.vector_store %arg1[%swap3A_202, %swap3A_203], %div3A_201 {strides = array<i32>} : memref<2048x1xf32, #tpu.memory_space<vmem>>, vector<2048x1xf32>,
    %div3A_205 = arith.divf %broadcast_in_dim3A_193, %select_n3A_200 : vector<2048x1xf32>
    %swap3A_206 = arith.constant 0 : index
    %swap3A_207 = arith.constant 0 : index
    %swap3A_208 = vector.load %arg2[%swap3A_206, %swap3A_207] : memref<2048x1xf32, #tpu.memory_space<vmem>>, vector<2048x1xf32>
    tpu.vector_store %arg2[%swap3A_206, %swap3A_207], %div3A_205 {strides = array<i32>} : memref<2048x1xf32, #tpu.memory_space<vmem>>, vector<2048x1xf32>,
    %mul3A_209 = arith.constant 512 : i32
    %mul3A_210 = vector.broadcast %mul3A_209 : i32 to vector<2048x1xi32>
    %mul3A_211 = arith.muli %broadcast_in_dim3A_6, %mul3A_210 : vector<2048x1xi32>
    %convert_element_type3A_212 = arith.fptosi %broadcast_in_dim3A_181 : vector<2048x1xf32> to vector<2048x1xi32>
    %add3A_213 = arith.addi %mul3A_211, %convert_element_type3A_212 : vector<2048x1xi32>
    %swap3A_214 = arith.constant 0 : index
    %swap3A_215 = arith.constant 0 : index
    %swap3A_216 = vector.load %arg3[%swap3A_214, %swap3A_215] : memref<2048x1xi32, #tpu.memory_space<vmem>>, vector<2048x1xi32>
    tpu.vector_store %arg3[%swap3A_214, %swap3A_215], %add3A_213 {strides = array<i32>} : memref<2048x1xi32, #tpu.memory_space<vmem>>, vector<2048x1xi32>,
    %mul3A_217 = arith.constant 512 : i32
    %mul3A_218 = vector.broadcast %mul3A_217 : i32 to vector<2048x1xi32>
    %mul3A_219 = arith.muli %broadcast_in_dim3A_22, %mul3A_218 : vector<2048x1xi32>
    %convert_element_type3A_220 = arith.fptosi %broadcast_in_dim3A_185 : vector<2048x1xf32> to vector<2048x1xi32>
    %add3A_221 = arith.addi %mul3A_219, %convert_element_type3A_220 : vector<2048x1xi32>
    %swap3A_222 = arith.constant 0 : index
    %swap3A_223 = arith.constant 0 : index
    %swap3A_224 = vector.load %arg4[%swap3A_222, %swap3A_223] : memref<2048x1xi32, #tpu.memory_space<vmem>>, vector<2048x1xi32>
    tpu.vector_store %arg4[%swap3A_222, %swap3A_223], %add3A_221 {strides = array<i32>} : memref<2048x1xi32, #tpu.memory_space<vmem>>, vector<2048x1xi32>,
    return
  }
}

module attributes {stable_mosaic.version = 14 : i64} {
  func.func @_dense_body(%arg0: i32, %arg1: memref<128x1xf32, #tpu.memory_space<vmem>>, %arg2: memref<128x1xf32, #tpu.memory_space<vmem>>, %arg3: memref<128x1xi32, #tpu.memory_space<vmem>>, %arg4: memref<128x1xi32, #tpu.memory_space<vmem>>, %arg5: memref<128x4096xf32, #tpu.memory_space<vmem>>, %arg6: memref<128x4096xi32, #tpu.memory_space<vmem>>) attributes {dimension_semantics = [#tpu.dimension_semantics<arbitrary>], iteration_bounds = array<i64: 16>, scalar_prefetch = 0 : i64, scratch_operands = 0 : i64, tpu.core_type = #tpu.core_type<tc>, window_params = [{transform_indices = @transform_0, window_bounds = array<i64: 128, 1>}, {transform_indices = @transform_1, window_bounds = array<i64: 128, 1>}, {transform_indices = @transform_2, window_bounds = array<i64: 128, 1>}, {transform_indices = @transform_3, window_bounds = array<i64: 128, 1>}, {transform_indices = @transform_4, window_bounds = array<i64: 128, 4096>}, {transform_indices = @transform_5, window_bounds = array<i64: 128, 4096>}]} {
    %iota3A = tpu.iota {dimensions = array<i32: 1>} : vector<128x4096xi32>
    %get3A = arith.constant 0 : index
    %get3A_0 = arith.constant 0 : index
    %get3A_1 = vector.load %arg3[%get3A, %get3A_0] : memref<128x1xi32, #tpu.memory_space<vmem>>, vector<128x1xi32>
    %eq3A = vector.broadcast %get3A_1 : vector<128x1xi32> to vector<128x4096xi32>
    %eq3A_2 = arith.cmpi eq, %iota3A, %eq3A : vector<128x4096xi32>
    %get3A_3 = arith.constant 0 : index
    %get3A_4 = arith.constant 0 : index
    %get3A_5 = vector.load %arg1[%get3A_3, %get3A_4] : memref<128x1xf32, #tpu.memory_space<vmem>>, vector<128x1xf32>
    %jit3A = arith.constant 0.000000e+00 : f32
    %broadcast_in_dim3A = vector.shape_cast %get3A_5 : vector<128x1xf32> to vector<128x1xf32>
    %broadcast_in_dim3A_6 = vector.broadcast %broadcast_in_dim3A : vector<128x1xf32> to vector<128x4096xf32>
    %broadcast_in_dim3A_7 = vector.broadcast %jit3A : f32 to vector<128x4096xf32>
    %select_n3A = arith.select %eq3A_2, %broadcast_in_dim3A_6, %broadcast_in_dim3A_7 : vector<128x4096xi1>, vector<128x4096xf32>
    %get3A_8 = arith.constant 0 : index
    %get3A_9 = arith.constant 0 : index
    %get3A_10 = vector.load %arg4[%get3A_8, %get3A_9] : memref<128x1xi32, #tpu.memory_space<vmem>>, vector<128x1xi32>
    %eq3A_11 = vector.broadcast %get3A_10 : vector<128x1xi32> to vector<128x4096xi32>
    %eq3A_12 = arith.cmpi eq, %iota3A, %eq3A_11 : vector<128x4096xi32>
    %get3A_13 = arith.constant 0 : index
    %get3A_14 = arith.constant 0 : index
    %get3A_15 = vector.load %arg2[%get3A_13, %get3A_14] : memref<128x1xf32, #tpu.memory_space<vmem>>, vector<128x1xf32>
    %jit3A_16 = arith.constant 0.000000e+00 : f32
    %broadcast_in_dim3A_17 = vector.shape_cast %get3A_15 : vector<128x1xf32> to vector<128x1xf32>
    %broadcast_in_dim3A_18 = vector.broadcast %broadcast_in_dim3A_17 : vector<128x1xf32> to vector<128x4096xf32>
    %broadcast_in_dim3A_19 = vector.broadcast %jit3A_16 : f32 to vector<128x4096xf32>
    %select_n3A_20 = arith.select %eq3A_12, %broadcast_in_dim3A_18, %broadcast_in_dim3A_19 : vector<128x4096xi1>, vector<128x4096xf32>
    %add3A = arith.addf %select_n3A, %select_n3A_20 : vector<128x4096xf32>
    %swap3A = arith.constant 0 : index
    %swap3A_21 = arith.constant 0 : index
    %swap3A_22 = vector.load %arg5[%swap3A, %swap3A_21] : memref<128x4096xf32, #tpu.memory_space<vmem>>, vector<128x4096xf32>
    tpu.vector_store %arg5[%swap3A, %swap3A_21], %add3A {strides = array<i32>} : memref<128x4096xf32, #tpu.memory_space<vmem>>, vector<128x4096xf32>,
    %gt3A = arith.constant 0.000000e+00 : f32
    %gt3A_23 = vector.broadcast %gt3A : f32 to vector<128x4096xf32>
    %gt3A_24 = arith.cmpf ogt, %add3A, %gt3A_23 : vector<128x4096xf32>
    %swap3A_25 = arith.constant 0 : index
    %swap3A_26 = arith.constant 0 : index
    %swap3A_27 = vector.load %arg6[%swap3A_25, %swap3A_26] : memref<128x4096xi32, #tpu.memory_space<vmem>>, vector<128x4096xi32>
    %swap3A_28 = arith.extui %gt3A_24 : vector<128x4096xi1> to vector<128x4096xi32>
    %swap3A_29 = arith.constant dense<0> : vector<128x4096xi32>
    %swap3A_30 = arith.cmpi ne, %swap3A_27, %swap3A_29 : vector<128x4096xi32>
    tpu.vector_store %arg6[%swap3A_25, %swap3A_26], %swap3A_28 {strides = array<i32>} : memref<128x4096xi32, #tpu.memory_space<vmem>>, vector<128x4096xi32>,
    return
  }
  func.func @transform_0(%arg0: i32) -> (i32, i32) {
    %c0_i32 = arith.constant 0 : i32
    %c0_i32_0 = arith.constant 0 : i32
    return %arg0, %c0_i32 : i32, i32
  }
  func.func @transform_1(%arg0: i32) -> (i32, i32) {
    %c0_i32 = arith.constant 0 : i32
    %c0_i32_0 = arith.constant 0 : i32
    return %arg0, %c0_i32 : i32, i32
  }
  func.func @transform_2(%arg0: i32) -> (i32, i32) {
    %c0_i32 = arith.constant 0 : i32
    %c0_i32_0 = arith.constant 0 : i32
    return %arg0, %c0_i32 : i32, i32
  }
  func.func @transform_3(%arg0: i32) -> (i32, i32) {
    %c0_i32 = arith.constant 0 : i32
    %c0_i32_0 = arith.constant 0 : i32
    return %arg0, %c0_i32 : i32, i32
  }
  func.func @transform_4(%arg0: i32) -> (i32, i32) {
    %c0_i32 = arith.constant 0 : i32
    %c0_i32_0 = arith.constant 0 : i32
    return %arg0, %c0_i32 : i32, i32
  }
  func.func @transform_5(%arg0: i32) -> (i32, i32) {
    %c0_i32 = arith.constant 0 : i32
    %c0_i32_0 = arith.constant 0 : i32
    return %arg0, %c0_i32 : i32, i32
  }
}

</mosaic_0001>

<sc_bundles>
// kernel: sparse-core-data-format-call.cloned.1.call-start
scs
called_computation_lowered:
.L_overlay_start_0:
0x0: {  	s2 =	sld [smem:$0x3FD9]  }
0x1: {  	s3 =	sld [smem:$0x3FFE];
	_ =	sdelay $0x1  }
0x2: {  	s1 =	srdreg.scid  }
0x3: {  	s0 =	sand.u32 $0x1, s1  }
0x4: {  	s15 =	sshll.u32 s0, $0xA;
	s2 =	sadd.s32 s3, s2  }
0x5: {  	s2 =	sadd.s32 s2, s15  }
0x6: {  	[smem:$0x3FC6] =	sst s2  }
0x7: {  	_ = 	snop  }
0x8: {  	s2 =	sld [smem:$0x3FD0];
	_ =	sdelay $0x2  }
0x9: {  	s16 =	simm.s32 $0xA;
	s4 =	simm.s32 $0x10  }
0xa: {  	[smem:s4], [sflag:s16] =	dma.local [hbm:s2], $0x1  }
0xb: {  	_ =	swait.eq [sflag:s16], $0x1  }
0xc: {  	[sflag:s16] =	ssyncset.done $0x0  }
0xd: {  	[sflag:s16] =	ssyncadd.s32 $0xFFFFFFFF  }
0xe: {  	s17 =	sld [smem:$0x11];
	(tm) =	ssettm $0x1  }
0xf: {  	s18 =	sld [smem:$0x3FFB];
	_ =	sdelay $0x3  }
0x10: {  	_ =	strace s18  }
0x11: {  	s3 =	sld [smem:$0x3FFC];
	_ =	sdelay $0x3  }
0x12: {  	_ =	strace s3  }
0x13: {  	s3 =	sld [smem:$0x3FFD];
	_ =	sdelay $0x3  }
0x14: {  	_ =	strace s3  }
0x15: {  	_ =	strace $0x8FFFFFFF  }
0x16: {  	s19 =	sld [smem:$0x3FDB];
	_ =	sdelay $0x1  }
0x17: {  	s20 =	simm.s32 $_scs_section_size  }
0x18: {  	s5 =	simm.s32 $_size__tile_overlayer_lowered;
	s6 =	simm.s32 $_tile_overlayer_lowered  }
0x19: {  	s23 =	simm.s32 $0x1BFF;
	s22 =	sshll.u32 s6, $0x1;
	s3 =	sadd.s32 s20, s19  }
0x1a: {  	s7 =	simm.s32 $0x0;
	s21 =	sshll.u32 s5, $0x1;
	s5 =	sadd.s32 s22, s3  }
0x1b: {  	[timem:s7], [sflag:s23] =	dma.local [hbm:s5], s21  }
0x1c: {  	_ =	swait.ge [sflag:s23], s21  }
0x1d: {  	s4 =	ssub.s32 $0x0, s21;
	[sflag:s23] =	ssyncset.done $0x0  }
0x1e: {  	[sflag:s23] =	ssyncadd.s32 s4;
	_ =	sdelay $0x1  }
0x1f: {  	s24 =	simm.s32 $0x1B8B  }
0x20: {  	_ =	swait.ge [sflag:s24], $0x1  }
0x21: {  	[sflag:s24] =	ssyncset.done $0x0  }
0x22: {  	s26 =	simm.s32 $0x1B8E;
	s25 =	sld [smem:$0x3FFE];
	[sflag:s24] =	ssyncadd.s32 $0xFFFFFFFF  }
0x23: {  	s27 =	simm.s32 $execute0_lowered;
	[smem:$0x3FD2] =	sst s26  }
0x24: {  	s5 =	sshll.u32 s27, $0x1;
	_ =	strace $0x80000046;
	[dreg:$0x1] =	wrdreg $0xFFFFFFFF  }
0x25: {  	s28 =	simm.s32 $_size_execute0_lowered;
	s3 =	sadd.s32 s3, s5;
	[dreg:$0x0] =	wrdreg $0x0  }
0x26: {  	s5 =	sshll.u32 s28, $0x1;
	[dreg:$0x2] =	wrdreg s3  }
0x27: {  	[dreg:$0x3] =	wrdreg s5  }
0x28: {  	[dreg:$0x4] =	wrdreg $0xC0  }
0x29: {  	_ =	task [dreg:s7], $0x5FFFF  }
0x2a: {  	[dreg:$0x1] =	wrdreg $0xFFFFFFFF  }
0x2b: {  	[dreg:$0x0] =	wrdreg $0x60  }
0x2c: {  	[dreg:$0x2] =	wrdreg s25  }
0x2d: {  	[dreg:$0x3] =	wrdreg s17  }
0x2e: {  	[dreg:$0x4] =	wrdreg $0x9  }
0x2f: {  	_ =	task.clear_ibuf [dreg:s7], $0x5FFFF;
	_ =	strace $0x90000046  }
0x30: {  	s29 =	simm.s32 $0x9;
	_ =	strace $0x80000048  }
0x31: {  	_ =	swait.ge [sflag:s29], $0x1  }
0x32: {  	[sflag:s29] =	ssyncadd.s32 $0xFFFFFFFF  }
0x33: {  	_ =	strace $0x90000048  }
0x34: {  	_ =	sfence  }
0x35: {  	s30 =	sld [smem:$0x0];
	_ =	sdelay $0x2  }
0x36: {  	s31 =	sshll.u32 s1, $0xD;
	s1 =	sshrl.u32 s1, $0x2  }
0x37: {  	s3 =	sand.u32 $0x4000, s31;
	s1 =	sadd.s32 s1, s30  }
0x38: {  	s0 =	sor.u32 s3, s0;
	s1 =	sshll.u32 s1, $0x11  }
0x39: {  	s0 =	sor.u32 s1, s0  }
0x3a: {  	s0 =	sadd.s32 $0x8F2B, s0  }
0x3b: {  	[sflag:s0] =	ssyncadd.remote.s32 $0x1  }
0x3c: {  	_ =	sfence.sel $0xFFFF  }
0x3d: {  	[dreg:$0x0] =	wrdreg $0xFFFFFFFF;
	(pc) =	sbr.abs _section_cstart, $3  }
0x3e: {  	[dreg:$0x1] =	wrdreg $0xFFFFFFFF  }
0x3f: {  	_ =	task.clear_ibuf [dreg:s7], $0x2FFFF;
	_ =	strace $0x9FFFFFFF  }
0x40: {  	(tm) =	ssettm $0x7FFFFFFF  }
0x41: {  	_ =	shalt  }
tec
execute0_lowered:
.L_overlay_start_1:
0x0: {  	(tag) =	ssettag $0x1  }
0x1: {  	s1 =	rddreg [dreg:$0x0]  }
0x2: {  	s2 =	rddreg [dreg:$0x1]  }
0x3: {  	s0 =	rddreg [dreg:$0x2];
	_ =	strace $0x80000047;
	s4 =	srdreg.scid  }
0x4: {  	s6 =	simm.s32 $0x2;
	s12 =	simm.s32 $0x0;
	p0 =	por $0x0, $0x0  }
0x5: {  	s13 =	simm.s32 $0x0;
	s15 =	simm.s32 $0x0;
	s14 =	simm.s32 $0x0  }
.Ltmp0:
0x6: {  	s8 =	simm.s32 $0x0;
	s9 =	simm.s32 $0x0;
	(pc) =	sbr.rel .LBB1_1-.Ltmp0, $4  }
0x7: {  	s10 =	simm.s32 $0x0;
	s3 =	sadd.s32 $0x100A00, s1;
	s5 =	sshll.u32 s4, $0x4  }
0x8: {  	s1 =	stileid.u32;
	s4 =	simm.s32 $0x1;
	s5 =	sand.u32 $0x10, s5  }
0x9: {  	s7 =	simm.s32 $0x0;
	[sflag:s4] =	ssyncpa.u1 $0x0;
	s5 =	sor.u32 s1, s5  }
0xa: {  	[sflag:s6] =	ssyncpa.u1 $0x0;
	s6 =	simm.s32 $0x1000;
	s11 =	smov.u32 s5  }
.LBB1_7:
0xb: {  	s16 =	sadd.s32 $0x100, s8  }
0xc: {  	s12 =	sadd.s32 $0x8, s9;
	s17 =	smov.u32 s9;
	p2 =	sgt.s32 s16, $0x1FF  }
0xd: {  	s17 =	smov.u32 @p2 s12  }
0xe: {  	s18 =	smov.u32 s10;
	s12 =	sadd.s32 $0x8, s10;
	p3 =	sgt.s32 s17, $0x7  }
0xf: {  	s18 =	smov.u32 @p3 s12  }
0x10: {  	s19 =	smov.u32 s11;
	s12 =	sadd.s32 $0x20, s11;
	p4 =	sgt.s32 s18, $0x7  }
0x11: {  	p1 =	slt.u32 s7, $0x2;
	s19 =	smov.u32 @p4 s12  }
0x12: {  	s7 =	sadd.s32 $0x1, s7;
	s16 =	simm.s32 @p2 $0x0;
	p2 =	sgt.s32 s19, $0xFF  }
0x13: {  	s20 =	simm.s32 @!p1 $0x2;
	s19 =	smov.u32 @p2 s5;
	p2 =	sne.s32 s7, $0x12  }
.Ltmp1:
0x14: {  	s13 =	smov.u32 s9;
	_ =	swait.ge @!p1 [sflag:s20], $0x4000;
	(pc) =	sbr.rel @!p2 .LBB1_8-.Ltmp1, $4  }
0x15: {  	s15 =	smov.u32 s10;
	s14 =	smov.u32 s11;
	[sflag:s20] =	ssyncset.done @!p1 $0x0  }
0x16: {  	p0 =	por !p0, !p0;
	s17 =	simm.s32 @p3 $0x0;
	[sflag:s20] =	ssyncadd.s32 @!p1 $0xFFFFC000  }
0x17: {  	s9 =	smov.u32 s17;
	s18 =	simm.s32 @p4 $0x0;
	s12 =	smov.u32 s8  }
0x18: {  	s8 =	smov.u32 s16;
	s10 =	smov.u32 s18;
	s11 =	smov.u32 s19  }
.LBB1_1:
0x19: {  	p1 =	sgt.u32 s7, $0xF  }
0x1a: {  	s16 =	sxor.u32 @!p1 $0xFFFFFFFF, s7;
	s17 =	sshll.u32 @!p1 s8, $0x3  }
0x1b: {  	s18 =	sshll.u32 @!p1 s9, $0x7;
	s19 =	sand.u32 @!p1 $0x78, s8;
	s20 =	sshll.u32 @!p1 s11, $0xC  }
0x1c: {  	s21 =	sshll.u32 @!p1 s10, $0x9;
	s16 =	sshll.u32 @!p1 s16, $0xE;
	s18 =	sand.u32 @!p1 $0x380, s18  }
0x1d: {  	s17 =	sand.u32 @!p1 $0xC00, s17;
	s16 =	sand.u32 @!p1 $0x4000, s16;
	s18 =	sor.u32 @!p1 s19, s18  }
0x1e: {  	s19 =	sand.u32 @!p1 $0x7, s8;
	s17 =	sor.u32 @!p1 s17, s18;
	s18 =	sadd.s32 @!p1 s3, s20  }
0x1f: {  	s19 =	sshll.u32 @!p1 s19, $0x12;
	s17 =	sshrl.u32 @!p1 s17, $0x3;
	s18 =	sadd.s32 @!p1 s21, s18  }
0x20: {  	s17 =	sadd.s32 @!p1 s17, s18;
	s18 =	sor.u32 @!p1 $0x800, s19;
	s19 =	simm.s32 @!p1 $0x1000  }
0x21: {  	[tilespmem:s16], [sflag:$0x1] =	stream.strided.gather @!p1 [hbm4b:s17+s18], $0x4000, s19, s18, $0x38;
	[tilespmem:$0x10000] =	vst v63  }
0x22: {  	p1 =	seq.s32 s7, $0x0  }
0x23: {  	p2 =	seq.s32 @!p1 s7, $0x11  }
0x24: {  	p1 =	por p1, p2  }
.Ltmp2:
0x25: {  	_ = 	snop;
	(pc) =	sbr.rel @p1 .LBB1_7-.Ltmp2, $1  }
0x26: {  	_ =	sdelay $0x3  }
0x27: {  	s16 =	simm.s32 $0x1;
	_ =	swait.ge [sflag:s4], $0x4000  }
0x28: {  	s31 =	sshll.u32 s7, $0xE;
	s21 =	simm.s32 $0x0;
	p1 =	por $0x0, $0x0  }
0x29: {  	s22 =	simm.s32 $0x0;
	s23 =	simm.s32 $0x0;
	s16 =	simm.s32 @!p0 $0x0  }
0x2a: {  	[sflag:s4] =	ssyncset.done $0x0;
	s19 =	sand.u32 $0x4000, s31;
	s16 =	sshll.u32 s16, $0x10  }
0x2b: {  	[sflag:s4] =	ssyncadd.s32 $0xFFFFC000;
	s20 =	sshrl.u32 s16, $0x2;
	s16 =	sor.u32 $0x8000, s19  }
0x2c: {  	s17 =	sor.u32 $0x40, s20;
	s18 =	sor.u32 $0x8410, s20;
	s20 =	sadd.s32 $0x8400, s20  }
.LBB1_3:
0x2d: {  	v1 =	vld [tilespmem:s17+$0xFFFFFFD0]  }
0x2e: {  	v2 =	vld [tilespmem:s17+$0x430]  }
0x2f: {  	s24 =	sshll.u32 s23, $0xB;
	v4 =	vld [tilespmem:s17+$0xFFFFFFE0]  }
0x30: {  	v7 =	vld [tilespmem:s17+$0xFFFFFFF0];
	v0 =	vmov s24  }
0x31: {  	v8 =	vld [tilespmem:s17+$0x0]  }
0x32: {  	s30 =	sand.u32 $0x300, s21;
	v9 =	vld [tilespmem:s17+$0x10]  }
0x33: {  	s25 =	sand.u32 $0x80, s21;
	v10 =	vld [tilespmem:s17+$0x20];
	s24 =	sadd.s32 s30, s19  }
0x34: {  	v11 =	vld [tilespmem:s17+$0x30];
	s24 =	sadd.s32 s25, s24;
	s25 =	simm.s32 $0x1;
	[tilespmem:s18+$0x60] =	vst v2  }
0x35: {  	s31 =	sshll.u32 s22, $0x2;
	s25 =	simm.s32 @!p1 $0x0;
	[tilespmem:s18+$0xFFFFFC00] =	vst v1;
	v3 =	vld.idx.msk [tilespmem:v0+s24+$0x400 ss:$0x1], $0xffff  }
0x36: {  	v6 =	vld [tilespmem:s17+$0x3D0];
	s25 =	sshll.u32 s25, $0x9;
	[tilespmem:s18+$0xFFFFFC10] =	vst v4;
	s24 =	sand.u32 $0xFFFFFC00, s31  }
0x37: {  	v5 =	vld [tilespmem:s17+$0x3E0];
	[tilespmem:s18+$0xFFFFFC20] =	vst v7;
	s24 =	sor.u32 s25, s24  }
0x38: {  	[tilespmem:s18+$0xFFFFFC30] =	vst v8;
	v4 =	vld [tilespmem:s17+$0x400];
	s24 =	sshrl.u32 s24, $0x2  }
0x39: {  	[tilespmem:s18+$0xFFFFFC40] =	vst v9;
	v1 =	vld [tilespmem:s17+$0x410];
	s24 =	sadd.s32 s24, s20  }
0x3a: {  	[tilespmem:s24+$0x0] =	vst v3;
	v3 =	vld [tilespmem:s17+$0x3F0]  }
0x3b: {  	s28 =	simm.s32 $0x80;
	s27 =	simm.s32 $0x100;
	[tilespmem:s18+$0xFFFFFC50] =	vst v10;
	v2 =	vld [tilespmem:s17+$0x420]  }
0x3c: {  	s26 =	smov.u32 s18;
	s29 =	sand.u32 $0x300, s28;
	v7 =	vld [tilespmem:s17+$0xFFFFFFC0];
	[tilespmem:s18+$0xFFFFFC60] =	vst v11;
	s25 =	sadd.s32 $0x80, s17  }
.LBB1_4:
0x3d: {  	p2 =	sne.s32 s27, $0x380;
	v8 =	vld [tilespmem:s25+$0xFFFFFFD0];
	s28 =	sand.u32 $0x80, s28;
	s29 =	sadd.s32 s29, s19;
	[tilespmem:s26+$0x0] =	vst v6  }
0x3e: {  	s29 =	sadd.s32 s28, s29;
	v6 =	vld [tilespmem:s25+$0x430];
	[tilespmem:s26+$0x10] =	vst v5;
	s28 =	smov.u32 s27  }
0x3f: {  	v5 =	vld.idx.msk [tilespmem:v0+s29+$0x400 ss:$0x1], $0xffff;
	[tilespmem:s26+$0x20] =	vst v3  }
0x40: {  	v3 =	vld [tilespmem:s25+$0xFFFFFFE0];
	[tilespmem:s26+$0x30] =	vst v4  }
0x41: {  	v4 =	vld [tilespmem:s25+$0xFFFFFFF0];
	[tilespmem:s26+$0xFFFFFBF0] =	vst v7  }
0x42: {  	v7 =	vld [tilespmem:s25+$0x0];
	[tilespmem:s26+$0x40] =	vst v1  }
0x43: {  	v1 =	vld [tilespmem:s25+$0x10];
	[tilespmem:s26+$0x50] =	vst v2;
	s26 =	sadd.s32 $0x800, s26  }
0x44: {  	s24 =	sadd.s32 $0x800, s24;
	v2 =	vld [tilespmem:s25+$0x20];
	[tilespmem:s26+$0x60] =	vst v6  }
0x45: {  	v9 =	vld [tilespmem:s25+$0x30];
	[tilespmem:s24+$0x0] =	vst v5  }
0x46: {  	[tilespmem:s26+$0xFFFFFC00] =	vst v8;
	v6 =	vld [tilespmem:s25+$0x3D0]  }
0x47: {  	[tilespmem:s26+$0xFFFFFC10] =	vst v3;
	v5 =	vld [tilespmem:s25+$0x3E0]  }
.Ltmp3:
0x48: {  	[tilespmem:s26+$0xFFFFFC20] =	vst v4;
	v3 =	vld [tilespmem:s25+$0x3F0];
	(pc) =	sbr.rel @p2 .LBB1_4-.Ltmp3, $4  }
0x49: {  	[tilespmem:s26+$0xFFFFFC30] =	vst v7;
	v4 =	vld [tilespmem:s25+$0x400]  }
0x4a: {  	[tilespmem:s26+$0xFFFFFC40] =	vst v1;
	v1 =	vld [tilespmem:s25+$0x410]  }
0x4b: {  	[tilespmem:s26+$0xFFFFFC50] =	vst v2;
	v2 =	vld [tilespmem:s25+$0x420]  }
0x4c: {  	s27 =	sadd.s32 $0x80, s27;
	s29 =	sand.u32 $0x300, s28;
	v7 =	vld [tilespmem:s25+$0xFFFFFFC0];
	[tilespmem:s26+$0xFFFFFC60] =	vst v9;
	s25 =	sadd.s32 $0x80, s25  }
0x4d: {  	[tilespmem:s26+$0x0] =	vst v6  }
0x4e: {  	[tilespmem:s26+$0x10] =	vst v5  }
0x4f: {  	v49 =	vld [tilespmem:s25+$0x430];
	[tilespmem:s26+$0x20] =	vst v3  }
0x50: {  	v50 =	vld [tilespmem:s25+$0xFFFFFFD0];
	[tilespmem:s26+$0x30] =	vst v4  }
0x51: {  	v51 =	vld [tilespmem:s25+$0xFFFFFFE0];
	[tilespmem:s26+$0x40] =	vst v1  }
0x52: {  	v52 =	vld [tilespmem:s25+$0xFFFFFFF0];
	[tilespmem:s26+$0x50] =	vst v2  }
0x53: {  	s31 =	sadd.s32 $0x800, s26;
	v53 =	vld [tilespmem:s25+$0x0];
	[tilespmem:s26+$0xFFFFFBF0] =	vst v7  }
0x54: {  	v54 =	vld [tilespmem:s25+$0x10];
	[tilespmem:s31+$0x60] =	vst v49  }
0x55: {  	v55 =	vld [tilespmem:s25+$0x20];
	[tilespmem:s31+$0xFFFFFC00] =	vst v50  }
0x56: {  	v56 =	vld [tilespmem:s25+$0x30];
	[tilespmem:s31+$0xFFFFFC10] =	vst v51  }
0x57: {  	v57 =	vld [tilespmem:s25+$0x3D0];
	[tilespmem:s31+$0xFFFFFC20] =	vst v52  }
0x58: {  	v58 =	vld [tilespmem:s25+$0x3E0];
	[tilespmem:s31+$0xFFFFFC30] =	vst v53  }
0x59: {  	v59 =	vld [tilespmem:s25+$0x3F0];
	[tilespmem:s31+$0xFFFFFC40] =	vst v54  }
0x5a: {  	v60 =	vld [tilespmem:s25+$0x400];
	[tilespmem:s31+$0xFFFFFC50] =	vst v55  }
0x5b: {  	v61 =	vld [tilespmem:s25+$0xFFFFFFC0];
	[tilespmem:s31+$0xFFFFFC60] =	vst v56  }
0x5c: {  	s27 =	sand.u32 $0x80, s28;
	s30 =	sadd.s32 s29, s19;
	v62 =	vld [tilespmem:s25+$0x410];
	[tilespmem:s31+$0x0] =	vst v57  }
0x5d: {  	v63 =	vld [tilespmem:s25+$0x420];
	s23 =	sadd.s32 $0x1, s23;
	s27 =	sadd.s32 s27, s30;
	[tilespmem:s31+$0x10] =	vst v58  }
0x5e: {  	p2 =	sne.s32 s23, $0x8;
	v0 =	vld.idx.msk [tilespmem:v0+s27+$0x400 ss:$0x1], $0xffff;
	[tilespmem:s31+$0x20] =	vst v59  }
.Ltmp4:
0x5f: {  	[tilespmem:s31+$0x30] =	vst v60;
	(pc) =	sbr.rel @p2 .LBB1_3-.Ltmp4, $4  }
0x60: {  	[tilespmem:s31+$0xFFFFFBF0] =	vst v61  }
0x61: {  	[tilespmem:s31+$0x40] =	vst v62  }
0x62: {  	s24 =	sadd.s32 $0x800, s24;
	s17 =	sadd.s32 $0x800, s17;
	[tilespmem:s31+$0x50] =	vst v63  }
0x63: {  	s22 =	sadd.s32 $0x80, s22;
	p1 =	por !p1, !p1;
	s18 =	sadd.s32 $0x80, s18;
	[tilespmem:s24+$0x0] =	vst v0  }
0x64: {  	s17 =	sshll.u32 s12, $0x3;
	s15 =	sshll.u32 s15, $0x7;
	s18 =	sand.u32 $0x78, s12  }
0x65: {  	s14 =	sshll.u32 s14, $0xC;
	s13 =	sshll.u32 s13, $0x9;
	s15 =	sand.u32 $0x380, s15  }
.Ltmp5:
0x66: {  	s17 =	sand.u32 $0xC00, s17;
	s15 =	sor.u32 s18, s15;
	(pc) =	sbr.rel .LBB1_7-.Ltmp5, $4  }
0x67: {  	s31 =	sand.u32 $0x7, s12;
	s14 =	sadd.s32 s2, s14;
	s15 =	sor.u32 s17, s15  }
0x68: {  	s12 =	sshll.u32 s31, $0x12;
	s13 =	sadd.s32 s13, s14;
	s15 =	sshrl.u32 s15, $0x3  }
0x69: {  	s12 =	sor.u32 $0x800, s12;
	s13 =	sadd.s32 s15, s13  }
0x6a: {  	[hbm4b:s13+s12] =	stream.strided.scatter [tilespmem:s16], [sflag:$0x2], $0x4000, s6, s12, $0x38;
	[tilespmem:$0x10000] =	vst v63  }
.LBB1_8:
0x6b: {  	_ =	sfence.sel $0x180000  }
0x6c: {  	s2 =	simm.s32 $0x1;
	[bflag:$0x0] =	sbarrier.arrive $0xFFFF  }
0x6d: {  	s31 =	simm.s32 $0x2;
	[sflag:s2] =	ssyncpa.u1 $0x1  }
0x6e: {  	[sflag:s31] =	ssyncpa.u1 $0x1  }
0x6f: {  	p0 =	sne.s32 s1, $0x0;
	_ =	strace $0x90000047  }
0x70: {  	s0 =	sadd.s32 @!p0 $0x100000, s0;
	[bflag:$0x2] =	sbarrier.arrive $0xFFFF  }
0x71: {  	[sflag:s0] =	ssyncadd.tile.s32 @!p0 $0x1;
	_ =	shalt  }
.Lfunc_end1:
_tile_overlayer_lowered:
.L_overlay_start_2:
0x72: {  	(tag) =	ssettag $0x2  }
0x73: {  	s0 =	rddreg [dreg:$0x0];
	s2 =	stileid.u32  }
0x74: {  	s1 =	rddreg [dreg:$0x1];
	p0 =	sne.s32 s2, $0x0  }
0x75: {  	s3 =	rddreg [dreg:$0x2];
	[bflag:$0x3] =	sbarrier.arrive $0xFFFF;
	s2 =	simm.s32 @!p0 $0x1C01  }
0x76: {  	[timem:s3], [sflag:s2] =	dma.local @!p0 [hbm:s0], s1  }
0x77: {  	s0 =	simm.s32 @!p0 $0x1  }
0x78: {  	_ =	swait.ge @!p0 [sflag:s0], s1  }
0x79: {  	s1 =	ssub.s32 @!p0 $0x0, s1;
	[sflag:s0] =	ssyncset.done @!p0 $0x0  }
0x7a: {  	[sflag:s0] =	ssyncadd.s32 @!p0 s1  }
0x7b: {  	[bflag:$0x3] =	sbarrier.arrive $0xFFFF  }
0x7c: {  	_ =	shalt  }

</sc_bundles>
